<compile_context>
chip_gen: v7x
topology: tpu7x:2x2x1
jax: 0.10.2.dev20260603
libtpu: 0.0.44.dev20260713+nightly
codegen_flags: <defaults>
</compile_context>

<pallas_src>
import jax
import jax.numpy as jnp
from jax import lax
from jax.experimental import pallas as pl
from jax.experimental.pallas import tpu as pltpu
from jax.experimental.pallas import tpu_sc as plsc

_VOCAB = 100000
_EMBED = 64
_EPAD = 128
_CTX = 20
_BATCH = 1024
_HIDDEN = 128
_KAUG = 136

_NC = 2
_NS = 16
_NW = _NC * _NS
_BTOT = _BATCH * _CTX
_BPW = _BTOT // _NW
_CH = 128
_NCH = _BPW // _CH

_VB = 2048
_NJ = (_VOCAB + _VB - 1) // _VB
_VPAD = _NJ * _VB


def _gather_body(table_hbm, idx_hbm, out_hbm, idx_v, rows_v, sem):
    wid = lax.axis_index("s") * _NC + lax.axis_index("c")
    base = wid * _BPW
    pltpu.sync_copy(idx_hbm.at[pl.ds(base, _BPW)], idx_v)
    copies = []
    for i in range(_NCH):
        c = pltpu.make_async_copy(
            table_hbm.at[idx_v.at[pl.ds(i * _CH, _CH)]],
            rows_v.at[pl.ds(i * _CH, _CH)],
            sem,
        )
        c.start()
        copies.append(c)
    for c in copies:
        c.wait()
    pltpu.sync_copy(rows_v, out_hbm.at[pl.ds(base, _BPW)])


def _sc_gather(table128, idx):
    mesh = plsc.VectorSubcoreMesh(
        core_axis_name="c", subcore_axis_name="s",
        num_cores=_NC, num_subcores=_NS,
    )
    return pl.kernel(
        _gather_body,
        out_type=jax.ShapeDtypeStruct((_BTOT, _EPAD), jnp.float32),
        mesh=mesh,
        scratch_types=[
            pltpu.VMEM((_BPW,), jnp.int32),
            pltpu.VMEM((_BPW, _EPAD), jnp.float32),
            pltpu.SemaphoreType.DMA,
        ],
    )(table128, idx)


def _mlp_body(embT, W1T, b1c, W2aT, out, h_ref, m_ref, s_ref):
    p = pl.program_id(0)
    j = pl.program_id(1)

    @pl.when((p == 0) & (j == 0))
    def _():
        pre = jnp.dot(W1T[...], embT[...], preferred_element_type=jnp.float32)
        pre = pre + b1c[...]
        h_ref[0:_HIDDEN, :] = jnp.maximum(pre, 0.0).astype(jnp.bfloat16)
        row = lax.broadcasted_iota(jnp.int32, (8, _BATCH), 0)
        ext = jnp.where(row == 0, 1.0, 0.0)
        h_ref[_HIDDEN:_KAUG, :] = ext.astype(jnp.bfloat16)
        m_ref[...] = jnp.full(m_ref.shape, -jnp.inf, jnp.float32)
        s_ref[...] = jnp.zeros(s_ref.shape, jnp.float32)

    @pl.when((p == 1) & (j == 0))
    def _():
        lse = m_ref[...] + jnp.log(s_ref[...])
        hi = lse.astype(jnp.bfloat16)
        lo = (lse - hi.astype(jnp.float32)).astype(jnp.bfloat16)
        h_ref[_HIDDEN + 1:_HIDDEN + 3, :] = jnp.concatenate([hi, lo], axis=0)

    logits = lax.dot_general(
        W2aT[...], h_ref[...],
        dimension_numbers=(((0,), (0,)), ((), ())),
        preferred_element_type=jnp.float32)

    @pl.when(p == 0)
    def _():
        bm = jnp.max(logits, axis=0, keepdims=True)
        new_m = jnp.maximum(m_ref[...], bm)
        s_ref[...] = s_ref[...] * jnp.exp(m_ref[...] - new_m) + jnp.sum(
            jnp.exp(logits - new_m), axis=0, keepdims=True)
        m_ref[...] = new_m

    @pl.when(p == 1)
    def _():
        out[...] = logits


def _mlp_logsoftmax_t(embT, W1T, b1c, W2aT):
    return pl.pallas_call(
        _mlp_body,
        grid=(2, _NJ),
        in_specs=[
            pl.BlockSpec((_CTX * _EPAD, _BATCH), lambda p, j: (0, 0)),
            pl.BlockSpec((_HIDDEN, _CTX * _EPAD), lambda p, j: (0, 0)),
            pl.BlockSpec((_HIDDEN, 1), lambda p, j: (0, 0)),
            pl.BlockSpec((_KAUG, _VB), lambda p, j: (0, j)),
        ],
        out_specs=pl.BlockSpec((_VB, _BATCH), lambda p, j: (j * p, 0)),
        out_shape=jax.ShapeDtypeStruct((_VOCAB, _BATCH), jnp.float32),
        scratch_shapes=[
            pltpu.VMEM((_KAUG, _BATCH), jnp.bfloat16),
            pltpu.VMEM((1, _BATCH), jnp.float32),
            pltpu.VMEM((1, _BATCH), jnp.float32),
        ],
    )(embT, W1T, b1c, W2aT)


def _augment_w2_t(W2, b2):
    npad = _VPAD - _VOCAB
    w2b = jnp.pad(W2.astype(jnp.bfloat16), ((0, 0), (0, npad)))
    b2row = jnp.pad(b2.reshape(1, _VOCAB).astype(jnp.bfloat16),
                    ((0, 0), (0, npad)), constant_values=-1e30)
    ones2 = jnp.full((2, _VPAD), -1.0, jnp.bfloat16)
    zer5 = jnp.zeros((_KAUG - _HIDDEN - 3, _VPAD), jnp.bfloat16)
    return jnp.concatenate([w2b, b2row, ones2, zer5], axis=0)


def _widen_w1_t(W1):
    w1 = W1.astype(jnp.bfloat16).reshape(_CTX, _EMBED, _HIDDEN)
    w1 = jnp.pad(w1, ((0, 0), (0, _EPAD - _EMBED), (0, 0)))
    return w1.reshape(_CTX * _EPAD, _HIDDEN).T


def kernel(inputs, emb_table, W1, b1, W2, b2):
    idx = inputs.reshape(_BTOT)
    table128 = jnp.pad(emb_table, ((0, 0), (0, _EPAD - _EMBED)))
    embeds = _sc_gather(table128, idx)
    embT = embeds.astype(jnp.bfloat16).reshape(_BATCH, _CTX * _EPAD).T
    outT = _mlp_logsoftmax_t(
        embT,
        _widen_w1_t(W1),
        b1.reshape(_HIDDEN, 1),
        _augment_w2_t(W2, b2),
    )
    return outT.T

# --- scband reference (transcript-rebuilt; emitter-appended) ---
"""Pipeline reference for scband-word2-vec-model-53377853555340 (READ-ONLY COPY).

The authoritative reference and input builder live on the scoring server;
editing this copy changes nothing except your own understanding.
"""

import jax, jax.numpy as jnp
import numpy as np

VOCAB = 100000
EMBED = 64
CTX = 20
BATCH = 1024
HIDDEN = 128


def setup_inputs(seed: int = 0) -> dict:
    key = jax.random.key(seed)
    k0, k1, k2, k3, k4, k5 = jax.random.split(key, 6)
    inputs = jax.random.randint(k0, (BATCH, CTX), 0, VOCAB, dtype=jnp.int64 if jax.config.jax_enable_x64 else jnp.int32).astype(jnp.int32)
    # learned parameters
    emb_table = jax.random.normal(k1, (VOCAB, EMBED), dtype=jnp.float32)
    # linear1: (ctx*embed) -> 128 ; torch Linear stores W as [out, in], we use [in, out]
    lim1 = 1.0 / np.sqrt(CTX * EMBED)
    W1 = jax.random.uniform(k2, (CTX * EMBED, HIDDEN), minval=-lim1, maxval=lim1, dtype=jnp.float32)
    b1 = jax.random.uniform(k3, (HIDDEN,), minval=-lim1, maxval=lim1, dtype=jnp.float32)
    lim2 = 1.0 / np.sqrt(HIDDEN)
    W2 = jax.random.uniform(k4, (HIDDEN, VOCAB), minval=-lim2, maxval=lim2, dtype=jnp.float32)
    b2 = jax.random.uniform(k5, (VOCAB,), minval=-lim2, maxval=lim2, dtype=jnp.float32)
    return {"inputs": inputs, "emb_table": emb_table, "W1": W1, "b1": b1, "W2": W2, "b2": b2}


def reference(inputs, emb_table, W1, b1, W2, b2):
    # embedding gather
    embeds = jnp.take(emb_table, inputs, axis=0)  # [B, CTX, EMBED]
    batch_size = inputs.shape[0]
    embeds = embeds.reshape((batch_size, -1))  # [B, CTX*EMBED]
    out = jax.nn.relu(embeds @ W1 + b1)
    out = out @ W2 + b2
    log_probabilities = jax.nn.log_softmax(out, axis=1)
    return log_probabilities

if __name__ == "__main__":
    import jax
    _d = setup_inputs()
    print(jax.jit(kernel)(*tuple(_d.values())))

</pallas_src>

<mosaic_0001>
#map = affine_map<(d0, d1) -> (0, 0)>
#map1 = affine_map<(d0, d1) -> (0)>
module attributes {stable_mosaic.version = 14 : i64} {
  func.func @_gather_body(%arg0: i32, %arg1: i32, %arg2: memref<100000x128xf32, #tpu.memory_space<hbm>>, %arg3: memref<20480xi32, #tpu.memory_space<hbm>>, %arg4: memref<20480x128xf32, #tpu.memory_space<hbm>>, %arg5: memref<640xi32, #tpu.memory_space<vmem>>, %arg6: memref<640x128xf32, #tpu.memory_space<vmem>>, %arg7: memref<!tpu.dma_semaphore, #tpu.memory_space<semaphore_mem>>) attributes {dimension_semantics = [#tpu.dimension_semantics<core_parallel>, #tpu.dimension_semantics<subcore_parallel>], iteration_bounds = array<i64: 2, 16>, scalar_prefetch = 0 : i64, scratch_operands = 3 : i64, tpu.core_type = #tpu.core_type<sc_vector_subcore>, window_params = [{transform_indices = #map}, {transform_indices = #map1}, {transform_indices = #map}]} {
    %mul3A = arith.constant 2 : i32
    %mul3A_0 = arith.muli %arg1, %mul3A : i32
    %add3A = arith.addi %mul3A_0, %arg0 : i32
    %mul3A_1 = arith.constant 640 : i32
    %mul3A_2 = arith.muli %add3A, %mul3A_1 : i32
    "tpu.region"() ({
      %run_scoped3A = tpu.sem_alloc : memref<!tpu.dma_semaphore, #tpu.memory_space<semaphore_mem>>
      %dma_start3A_81 = tpu.memref_slice %arg3[%mul3A_2] : memref<20480xi32, #tpu.memory_space<hbm>> -> memref<640xi32, #tpu.memory_space<hbm>>
      %dma_start3A_82 = tpu.memref_slice %arg3[%mul3A_2] : memref<20480xi32, #tpu.memory_space<hbm>> -> memref<640xi32, #tpu.memory_space<hbm>>
      tpu.enqueue_dma source(%dma_start3A_82 : memref<640xi32, #tpu.memory_space<hbm>>) target(%arg5 : memref<640xi32, #tpu.memory_space<vmem>>) target_semaphore(%run_scoped3A : memref<!tpu.dma_semaphore, #tpu.memory_space<semaphore_mem>>)
      %dma_wait3A_83 = tpu.memref_slice %arg3[%mul3A_2] : memref<20480xi32, #tpu.memory_space<hbm>> -> memref<640xi32, #tpu.memory_space<hbm>>
      %dma_wait3A_84 = tpu.memref_slice %arg3[%mul3A_2] : memref<20480xi32, #tpu.memory_space<hbm>> -> memref<640xi32, #tpu.memory_space<hbm>>
      tpu.wait_dma2 semaphore(%run_scoped3A : memref<!tpu.dma_semaphore, #tpu.memory_space<semaphore_mem>>) src(%dma_wait3A_84 : memref<640xi32, #tpu.memory_space<hbm>>) dst(%arg5 : memref<640xi32, #tpu.memory_space<vmem>>)
      tpu.yield
    }) : () -> ()
    %dma_start3A = arith.constant 0 : i32
    %dma_start3A_3 = arith.constant 0 : i32
    %dma_start3A_4 = tpu.memref_slice %arg6[%dma_start3A, %dma_start3A_3] : memref<640x128xf32, #tpu.memory_space<vmem>> -> memref<128x128xf32, #tpu.memory_space<vmem>>
    %dma_start3A_5 = arith.constant 0 : i32
    %dma_start3A_6 = tpu.memref_slice %arg5[%dma_start3A_5] : memref<640xi32, #tpu.memory_space<vmem>> -> memref<128xi32, #tpu.memory_space<vmem>>
    %dma_start3A_7 = arith.constant 0 : i32
    %dma_start3A_8 = arith.constant 0 : i32
    %dma_start3A_9 = tpu.memref_slice %arg2[%dma_start3A_7, %dma_start3A_8] : memref<100000x128xf32, #tpu.memory_space<hbm>> -> memref<100000x128xf32, #tpu.memory_space<hbm>>
    tpu.enqueue_indirect_dma source(%dma_start3A_9 : memref<100000x128xf32, #tpu.memory_space<hbm>>) target(%dma_start3A_4 : memref<128x128xf32, #tpu.memory_space<vmem>>) offsets(%dma_start3A_6 : memref<128xi32, #tpu.memory_space<vmem>>) semaphore(%arg7 : memref<!tpu.dma_semaphore, #tpu.memory_space<semaphore_mem>>)
    %dma_start3A_10 = arith.constant 128 : i32
    %dma_start3A_11 = arith.constant 0 : i32
    %dma_start3A_12 = tpu.memref_slice %arg6[%dma_start3A_10, %dma_start3A_11] : memref<640x128xf32, #tpu.memory_space<vmem>> -> memref<128x128xf32, #tpu.memory_space<vmem>>
    %dma_start3A_13 = arith.constant 128 : i32
    %dma_start3A_14 = tpu.memref_slice %arg5[%dma_start3A_13] : memref<640xi32, #tpu.memory_space<vmem>> -> memref<128xi32, #tpu.memory_space<vmem>>
    %dma_start3A_15 = arith.constant 0 : i32
    %dma_start3A_16 = arith.constant 0 : i32
    %dma_start3A_17 = tpu.memref_slice %arg2[%dma_start3A_15, %dma_start3A_16] : memref<100000x128xf32, #tpu.memory_space<hbm>> -> memref<100000x128xf32, #tpu.memory_space<hbm>>
    tpu.enqueue_indirect_dma source(%dma_start3A_17 : memref<100000x128xf32, #tpu.memory_space<hbm>>) target(%dma_start3A_12 : memref<128x128xf32, #tpu.memory_space<vmem>>) offsets(%dma_start3A_14 : memref<128xi32, #tpu.memory_space<vmem>>) semaphore(%arg7 : memref<!tpu.dma_semaphore, #tpu.memory_space<semaphore_mem>>)
    %dma_start3A_18 = arith.constant 256 : i32
    %dma_start3A_19 = arith.constant 0 : i32
    %dma_start3A_20 = tpu.memref_slice %arg6[%dma_start3A_18, %dma_start3A_19] : memref<640x128xf32, #tpu.memory_space<vmem>> -> memref<128x128xf32, #tpu.memory_space<vmem>>
    %dma_start3A_21 = arith.constant 256 : i32
    %dma_start3A_22 = tpu.memref_slice %arg5[%dma_start3A_21] : memref<640xi32, #tpu.memory_space<vmem>> -> memref<128xi32, #tpu.memory_space<vmem>>
    %dma_start3A_23 = arith.constant 0 : i32
    %dma_start3A_24 = arith.constant 0 : i32
    %dma_start3A_25 = tpu.memref_slice %arg2[%dma_start3A_23, %dma_start3A_24] : memref<100000x128xf32, #tpu.memory_space<hbm>> -> memref<100000x128xf32, #tpu.memory_space<hbm>>
    tpu.enqueue_indirect_dma source(%dma_start3A_25 : memref<100000x128xf32, #tpu.memory_space<hbm>>) target(%dma_start3A_20 : memref<128x128xf32, #tpu.memory_space<vmem>>) offsets(%dma_start3A_22 : memref<128xi32, #tpu.memory_space<vmem>>) semaphore(%arg7 : memref<!tpu.dma_semaphore, #tpu.memory_space<semaphore_mem>>)
    %dma_start3A_26 = arith.constant 384 : i32
    %dma_start3A_27 = arith.constant 0 : i32
    %dma_start3A_28 = tpu.memref_slice %arg6[%dma_start3A_26, %dma_start3A_27] : memref<640x128xf32, #tpu.memory_space<vmem>> -> memref<128x128xf32, #tpu.memory_space<vmem>>
    %dma_start3A_29 = arith.constant 384 : i32
    %dma_start3A_30 = tpu.memref_slice %arg5[%dma_start3A_29] : memref<640xi32, #tpu.memory_space<vmem>> -> memref<128xi32, #tpu.memory_space<vmem>>
    %dma_start3A_31 = arith.constant 0 : i32
    %dma_start3A_32 = arith.constant 0 : i32
    %dma_start3A_33 = tpu.memref_slice %arg2[%dma_start3A_31, %dma_start3A_32] : memref<100000x128xf32, #tpu.memory_space<hbm>> -> memref<100000x128xf32, #tpu.memory_space<hbm>>
    tpu.enqueue_indirect_dma source(%dma_start3A_33 : memref<100000x128xf32, #tpu.memory_space<hbm>>) target(%dma_start3A_28 : memref<128x128xf32, #tpu.memory_space<vmem>>) offsets(%dma_start3A_30 : memref<128xi32, #tpu.memory_space<vmem>>) semaphore(%arg7 : memref<!tpu.dma_semaphore, #tpu.memory_space<semaphore_mem>>)
    %dma_start3A_34 = arith.constant 512 : i32
    %dma_start3A_35 = arith.constant 0 : i32
    %dma_start3A_36 = tpu.memref_slice %arg6[%dma_start3A_34, %dma_start3A_35] : memref<640x128xf32, #tpu.memory_space<vmem>> -> memref<128x128xf32, #tpu.memory_space<vmem>>
    %dma_start3A_37 = arith.constant 512 : i32
    %dma_start3A_38 = tpu.memref_slice %arg5[%dma_start3A_37] : memref<640xi32, #tpu.memory_space<vmem>> -> memref<128xi32, #tpu.memory_space<vmem>>
    %dma_start3A_39 = arith.constant 0 : i32
    %dma_start3A_40 = arith.constant 0 : i32
    %dma_start3A_41 = tpu.memref_slice %arg2[%dma_start3A_39, %dma_start3A_40] : memref<100000x128xf32, #tpu.memory_space<hbm>> -> memref<100000x128xf32, #tpu.memory_space<hbm>>
    tpu.enqueue_indirect_dma source(%dma_start3A_41 : memref<100000x128xf32, #tpu.memory_space<hbm>>) target(%dma_start3A_36 : memref<128x128xf32, #tpu.memory_space<vmem>>) offsets(%dma_start3A_38 : memref<128xi32, #tpu.memory_space<vmem>>) semaphore(%arg7 : memref<!tpu.dma_semaphore, #tpu.memory_space<semaphore_mem>>)
    %dma_wait3A = arith.constant 0 : i32
    %dma_wait3A_42 = arith.constant 0 : i32
    %dma_wait3A_43 = tpu.memref_slice %arg6[%dma_wait3A, %dma_wait3A_42] : memref<640x128xf32, #tpu.memory_space<vmem>> -> memref<128x128xf32, #tpu.memory_space<vmem>>
    %dma_wait3A_44 = arith.constant 0 : i32
    %dma_wait3A_45 = tpu.memref_slice %arg5[%dma_wait3A_44] : memref<640xi32, #tpu.memory_space<vmem>> -> memref<128xi32, #tpu.memory_space<vmem>>
    %dma_wait3A_46 = arith.constant 0 : i32
    %dma_wait3A_47 = arith.constant 0 : i32
    %dma_wait3A_48 = tpu.memref_slice %arg2[%dma_wait3A_46, %dma_wait3A_47] : memref<100000x128xf32, #tpu.memory_space<hbm>> -> memref<100000x128xf32, #tpu.memory_space<hbm>>
    tpu.wait_indirect_dma semaphore(%arg7 : memref<!tpu.dma_semaphore, #tpu.memory_space<semaphore_mem>>) src(%dma_wait3A_48 : memref<100000x128xf32, #tpu.memory_space<hbm>>) dst(%dma_wait3A_43 : memref<128x128xf32, #tpu.memory_space<vmem>>)
    %dma_wait3A_49 = arith.constant 128 : i32
    %dma_wait3A_50 = arith.constant 0 : i32
    %dma_wait3A_51 = tpu.memref_slice %arg6[%dma_wait3A_49, %dma_wait3A_50] : memref<640x128xf32, #tpu.memory_space<vmem>> -> memref<128x128xf32, #tpu.memory_space<vmem>>
    %dma_wait3A_52 = arith.constant 128 : i32
    %dma_wait3A_53 = tpu.memref_slice %arg5[%dma_wait3A_52] : memref<640xi32, #tpu.memory_space<vmem>> -> memref<128xi32, #tpu.memory_space<vmem>>
    %dma_wait3A_54 = arith.constant 0 : i32
    %dma_wait3A_55 = arith.constant 0 : i32
    %dma_wait3A_56 = tpu.memref_slice %arg2[%dma_wait3A_54, %dma_wait3A_55] : memref<100000x128xf32, #tpu.memory_space<hbm>> -> memref<100000x128xf32, #tpu.memory_space<hbm>>
    tpu.wait_indirect_dma semaphore(%arg7 : memref<!tpu.dma_semaphore, #tpu.memory_space<semaphore_mem>>) src(%dma_wait3A_56 : memref<100000x128xf32, #tpu.memory_space<hbm>>) dst(%dma_wait3A_51 : memref<128x128xf32, #tpu.memory_space<vmem>>)
    %dma_wait3A_57 = arith.constant 256 : i32
    %dma_wait3A_58 = arith.constant 0 : i32
    %dma_wait3A_59 = tpu.memref_slice %arg6[%dma_wait3A_57, %dma_wait3A_58] : memref<640x128xf32, #tpu.memory_space<vmem>> -> memref<128x128xf32, #tpu.memory_space<vmem>>
    %dma_wait3A_60 = arith.constant 256 : i32
    %dma_wait3A_61 = tpu.memref_slice %arg5[%dma_wait3A_60] : memref<640xi32, #tpu.memory_space<vmem>> -> memref<128xi32, #tpu.memory_space<vmem>>
    %dma_wait3A_62 = arith.constant 0 : i32
    %dma_wait3A_63 = arith.constant 0 : i32
    %dma_wait3A_64 = tpu.memref_slice %arg2[%dma_wait3A_62, %dma_wait3A_63] : memref<100000x128xf32, #tpu.memory_space<hbm>> -> memref<100000x128xf32, #tpu.memory_space<hbm>>
    tpu.wait_indirect_dma semaphore(%arg7 : memref<!tpu.dma_semaphore, #tpu.memory_space<semaphore_mem>>) src(%dma_wait3A_64 : memref<100000x128xf32, #tpu.memory_space<hbm>>) dst(%dma_wait3A_59 : memref<128x128xf32, #tpu.memory_space<vmem>>)
    %dma_wait3A_65 = arith.constant 384 : i32
    %dma_wait3A_66 = arith.constant 0 : i32
    %dma_wait3A_67 = tpu.memref_slice %arg6[%dma_wait3A_65, %dma_wait3A_66] : memref<640x128xf32, #tpu.memory_space<vmem>> -> memref<128x128xf32, #tpu.memory_space<vmem>>
    %dma_wait3A_68 = arith.constant 384 : i32
    %dma_wait3A_69 = tpu.memref_slice %arg5[%dma_wait3A_68] : memref<640xi32, #tpu.memory_space<vmem>> -> memref<128xi32, #tpu.memory_space<vmem>>
    %dma_wait3A_70 = arith.constant 0 : i32
    %dma_wait3A_71 = arith.constant 0 : i32
    %dma_wait3A_72 = tpu.memref_slice %arg2[%dma_wait3A_70, %dma_wait3A_71] : memref<100000x128xf32, #tpu.memory_space<hbm>> -> memref<100000x128xf32, #tpu.memory_space<hbm>>
    tpu.wait_indirect_dma semaphore(%arg7 : memref<!tpu.dma_semaphore, #tpu.memory_space<semaphore_mem>>) src(%dma_wait3A_72 : memref<100000x128xf32, #tpu.memory_space<hbm>>) dst(%dma_wait3A_67 : memref<128x128xf32, #tpu.memory_space<vmem>>)
    %dma_wait3A_73 = arith.constant 512 : i32
    %dma_wait3A_74 = arith.constant 0 : i32
    %dma_wait3A_75 = tpu.memref_slice %arg6[%dma_wait3A_73, %dma_wait3A_74] : memref<640x128xf32, #tpu.memory_space<vmem>> -> memref<128x128xf32, #tpu.memory_space<vmem>>
    %dma_wait3A_76 = arith.constant 512 : i32
    %dma_wait3A_77 = tpu.memref_slice %arg5[%dma_wait3A_76] : memref<640xi32, #tpu.memory_space<vmem>> -> memref<128xi32, #tpu.memory_space<vmem>>
    %dma_wait3A_78 = arith.constant 0 : i32
    %dma_wait3A_79 = arith.constant 0 : i32
    %dma_wait3A_80 = tpu.memref_slice %arg2[%dma_wait3A_78, %dma_wait3A_79] : memref<100000x128xf32, #tpu.memory_space<hbm>> -> memref<100000x128xf32, #tpu.memory_space<hbm>>
    tpu.wait_indirect_dma semaphore(%arg7 : memref<!tpu.dma_semaphore, #tpu.memory_space<semaphore_mem>>) src(%dma_wait3A_80 : memref<100000x128xf32, #tpu.memory_space<hbm>>) dst(%dma_wait3A_75 : memref<128x128xf32, #tpu.memory_space<vmem>>)
    "tpu.region"() ({
      %run_scoped3A = tpu.sem_alloc : memref<!tpu.dma_semaphore, #tpu.memory_space<semaphore_mem>>
      %dma_start3A_81 = arith.constant 0 : i32
      %dma_start3A_82 = tpu.memref_slice %arg4[%mul3A_2, %dma_start3A_81] : memref<20480x128xf32, #tpu.memory_space<hbm>> -> memref<640x128xf32, #tpu.memory_space<hbm>>
      %dma_start3A_83 = arith.constant 0 : i32
      %dma_start3A_84 = tpu.memref_slice %arg4[%mul3A_2, %dma_start3A_83] : memref<20480x128xf32, #tpu.memory_space<hbm>> -> memref<640x128xf32, #tpu.memory_space<hbm>>
      tpu.enqueue_dma source(%arg6 : memref<640x128xf32, #tpu.memory_space<vmem>>) target(%dma_start3A_84 : memref<640x128xf32, #tpu.memory_space<hbm>>) target_semaphore(%run_scoped3A : memref<!tpu.dma_semaphore, #tpu.memory_space<semaphore_mem>>)
      %dma_wait3A_85 = arith.constant 0 : i32
      %dma_wait3A_86 = tpu.memref_slice %arg4[%mul3A_2, %dma_wait3A_85] : memref<20480x128xf32, #tpu.memory_space<hbm>> -> memref<640x128xf32, #tpu.memory_space<hbm>>
      %dma_wait3A_87 = arith.constant 0 : i32
      %dma_wait3A_88 = tpu.memref_slice %arg4[%mul3A_2, %dma_wait3A_87] : memref<20480x128xf32, #tpu.memory_space<hbm>> -> memref<640x128xf32, #tpu.memory_space<hbm>>
      tpu.wait_dma2 semaphore(%run_scoped3A : memref<!tpu.dma_semaphore, #tpu.memory_space<semaphore_mem>>) src(%arg6 : memref<640x128xf32, #tpu.memory_space<vmem>>) dst(%dma_wait3A_88 : memref<640x128xf32, #tpu.memory_space<hbm>>)
      tpu.yield
    }) : () -> ()
    return
  }
}

module attributes {stable_mosaic.version = 14 : i64} {
  func.func @_mlp_body(%arg0: i32, %arg1: i32, %arg2: memref<2560x1024xbf16, #tpu.memory_space<vmem>>, %arg3: memref<128x2560xbf16, #tpu.memory_space<vmem>>, %arg4: memref<128x1xf32, #tpu.memory_space<vmem>>, %arg5: memref<136x2048xbf16, #tpu.memory_space<vmem>>, %arg6: memref<2048x1024xf32, #tpu.memory_space<vmem>>, %arg7: memref<136x1024xbf16, #tpu.memory_space<vmem>>, %arg8: memref<1x1024xf32, #tpu.memory_space<vmem>>, %arg9: memref<1x1024xf32, #tpu.memory_space<vmem>>) attributes {dimension_semantics = [#tpu.dimension_semantics<arbitrary>, #tpu.dimension_semantics<arbitrary>], iteration_bounds = array<i64: 2, 49>, scalar_prefetch = 0 : i64, scratch_operands = 3 : i64, tpu.core_type = #tpu.core_type<tc>, window_params = [{pipeline_mode = #tpu.pipeline_mode<synchronous>, transform_indices = @transform_0, window_bounds = array<i64: 2560, 1024>}, {pipeline_mode = #tpu.pipeline_mode<synchronous>, transform_indices = @transform_1, window_bounds = array<i64: 128, 2560>}, {pipeline_mode = #tpu.pipeline_mode<synchronous>, transform_indices = @transform_2, window_bounds = array<i64: 128, 1>}, {transform_indices = @transform_3, window_bounds = array<i64: 136, 2048>}, {transform_indices = @transform_4, window_bounds = array<i64: 2048, 1024>}]} {
    %eq3A = arith.constant 0 : i32
    %eq3A_0 = arith.cmpi eq, %arg0, %eq3A : i32
    %eq3A_1 = arith.constant 0 : i32
    %eq3A_2 = arith.cmpi eq, %arg1, %eq3A_1 : i32
    %and3A = arith.andi %eq3A_0, %eq3A_2 : i1
    %convert_element_type3A = arith.extui %and3A : i1 to i32
    %cond3A = arith.constant 0 : i32
    %cond3A_3 = arith.cmpi ne, %convert_element_type3A, %cond3A : i32
    scf.if %cond3A_3 {
      %get3A_28 = arith.constant 0 : index
      %get3A_29 = arith.constant 0 : index
      %get3A_30 = vector.load %arg3[%get3A_28, %get3A_29] : memref<128x2560xbf16, #tpu.memory_space<vmem>>, vector<128x2560xbf16>
      %get3A_31 = arith.constant 0 : index
      %get3A_32 = arith.constant 0 : index
      %get3A_33 = vector.load %arg2[%get3A_31, %get3A_32] : memref<2560x1024xbf16, #tpu.memory_space<vmem>>, vector<2560x1024xbf16>
      %dot_general3A_34 = arith.constant dense<0.000000e+00> : vector<128x1024xf32>
      %dot_general3A_35 = tpu.matmul %get3A_30, %get3A_33, %dot_general3A_34 {dimension_numbers = #tpu.dot_dimension_numbers<[1], [0], [0], [1], [0, 0, 1, 1], [], []>, transpose_lhs_hint = false} : vector<128x2560xbf16>, vector<2560x1024xbf16>, vector<128x1024xf32> -> vector<128x1024xf32>
      %get3A_36 = arith.constant 0 : index
      %get3A_37 = arith.constant 0 : index
      %get3A_38 = vector.load %arg4[%get3A_36, %get3A_37] : memref<128x1xf32, #tpu.memory_space<vmem>>, vector<128x1xf32>
      %add3A = vector.broadcast %get3A_38 : vector<128x1xf32> to vector<128x1024xf32>
      %add3A_39 = arith.addf %dot_general3A_35, %add3A : vector<128x1024xf32>
      %max3A = arith.constant 0.000000e+00 : f32
      %max3A_40 = vector.broadcast %max3A : f32 to vector<128x1024xf32>
      %max3A_41 = arith.maximumf %add3A_39, %max3A_40 : vector<128x1024xf32>
      %convert_element_type3A_42 = arith.truncf %max3A_41 : vector<128x1024xf32> to vector<128x1024xbf16>
      %swap3A = arith.constant 0 : index
      %swap3A_43 = arith.constant 0 : index
      %swap3A_44 = vector.load %arg7[%swap3A, %swap3A_43] : memref<136x1024xbf16, #tpu.memory_space<vmem>>, vector<128x1024xbf16>
      tpu.vector_store %arg7[%swap3A, %swap3A_43], %convert_element_type3A_42 {strides = array<i32>} : memref<136x1024xbf16, #tpu.memory_space<vmem>>, vector<128x1024xbf16>,
      %iota3A = tpu.iota {dimensions = array<i32: 0>} : vector<8x1024xi32>
      %eq3A_45 = arith.constant 0 : i32
      %eq3A_46 = vector.broadcast %eq3A_45 : i32 to vector<8x1024xi32>
      %eq3A_47 = arith.cmpi eq, %iota3A, %eq3A_46 : vector<8x1024xi32>
      %jit3A = arith.constant 1.000000e+00 : f32
      %jit3A_48 = arith.constant 0.000000e+00 : f32
      %broadcast_in_dim3A = vector.broadcast %jit3A : f32 to vector<8x1024xf32>
      %broadcast_in_dim3A_49 = vector.broadcast %jit3A_48 : f32 to vector<8x1024xf32>
      %select_n3A = arith.select %eq3A_47, %broadcast_in_dim3A, %broadcast_in_dim3A_49 : vector<8x1024xi1>, vector<8x1024xf32>
      %convert_element_type3A_50 = arith.truncf %select_n3A : vector<8x1024xf32> to vector<8x1024xbf16>
      %swap3A_51 = arith.constant 128 : index
      %swap3A_52 = arith.constant 0 : index
      %swap3A_53 = vector.load %arg7[%swap3A_51, %swap3A_52] : memref<136x1024xbf16, #tpu.memory_space<vmem>>, vector<8x1024xbf16>
      tpu.vector_store %arg7[%swap3A_51, %swap3A_52], %convert_element_type3A_50 {strides = array<i32>} : memref<136x1024xbf16, #tpu.memory_space<vmem>>, vector<8x1024xbf16>,
      %broadcast_in_dim3A_54 = arith.constant 0xFF800000 : f32
      %broadcast_in_dim3A_55 = vector.broadcast %broadcast_in_dim3A_54 : f32 to vector<1x1024xf32>
      %swap3A_56 = arith.constant 0 : index
      %swap3A_57 = arith.constant 0 : index
      %swap3A_58 = vector.load %arg8[%swap3A_56, %swap3A_57] : memref<1x1024xf32, #tpu.memory_space<vmem>>, vector<1x1024xf32>
      tpu.vector_store %arg8[%swap3A_56, %swap3A_57], %broadcast_in_dim3A_55 {strides = array<i32>} : memref<1x1024xf32, #tpu.memory_space<vmem>>, vector<1x1024xf32>,
      %broadcast_in_dim3A_59 = arith.constant 0.000000e+00 : f32
      %broadcast_in_dim3A_60 = vector.broadcast %broadcast_in_dim3A_59 : f32 to vector<1x1024xf32>
      %swap3A_61 = arith.constant 0 : index
      %swap3A_62 = arith.constant 0 : index
      %swap3A_63 = vector.load %arg9[%swap3A_61, %swap3A_62] : memref<1x1024xf32, #tpu.memory_space<vmem>>, vector<1x1024xf32>
      tpu.vector_store %arg9[%swap3A_61, %swap3A_62], %broadcast_in_dim3A_60 {strides = array<i32>} : memref<1x1024xf32, #tpu.memory_space<vmem>>, vector<1x1024xf32>,
    } else {
    }
    %eq3A_4 = arith.constant 1 : i32
    %eq3A_5 = arith.cmpi eq, %arg0, %eq3A_4 : i32
    %eq3A_6 = arith.constant 0 : i32
    %eq3A_7 = arith.cmpi eq, %arg1, %eq3A_6 : i32
    %and3A_8 = arith.andi %eq3A_5, %eq3A_7 : i1
    %convert_element_type3A_9 = arith.extui %and3A_8 : i1 to i32
    %cond3A_10 = arith.constant 0 : i32
    %cond3A_11 = arith.cmpi ne, %convert_element_type3A_9, %cond3A_10 : i32
    scf.if %cond3A_11 {
      %get3A_28 = arith.constant 0 : index
      %get3A_29 = arith.constant 0 : index
      %get3A_30 = vector.load %arg8[%get3A_28, %get3A_29] : memref<1x1024xf32, #tpu.memory_space<vmem>>, vector<1x1024xf32>
      %get3A_31 = arith.constant 0 : index
      %get3A_32 = arith.constant 0 : index
      %get3A_33 = vector.load %arg9[%get3A_31, %get3A_32] : memref<1x1024xf32, #tpu.memory_space<vmem>>, vector<1x1024xf32>
      %log3A = math.log %get3A_33 : vector<1x1024xf32>
      %add3A = arith.addf %get3A_30, %log3A : vector<1x1024xf32>
      %convert_element_type3A_34 = arith.truncf %add3A : vector<1x1024xf32> to vector<1x1024xbf16>
      %convert_element_type3A_35 = arith.extf %convert_element_type3A_34 : vector<1x1024xbf16> to vector<1x1024xf32>
      %sub3A = arith.subf %add3A, %convert_element_type3A_35 : vector<1x1024xf32>
      %convert_element_type3A_36 = arith.truncf %sub3A : vector<1x1024xf32> to vector<1x1024xbf16>
      %concatenate3A = tpu.concatenate %convert_element_type3A_34, %convert_element_type3A_36 in 0 : vector<1x1024xbf16>, vector<1x1024xbf16> -> vector<2x1024xbf16>
      %swap3A = arith.constant 129 : index
      %swap3A_37 = arith.constant 0 : index
      %swap3A_38 = vector.load %arg7[%swap3A, %swap3A_37] : memref<136x1024xbf16, #tpu.memory_space<vmem>>, vector<2x1024xbf16>
      tpu.vector_store %arg7[%swap3A, %swap3A_37], %concatenate3A {strides = array<i32>} : memref<136x1024xbf16, #tpu.memory_space<vmem>>, vector<2x1024xbf16>,
    } else {
    }
    %get3A = arith.constant 0 : index
    %get3A_12 = arith.constant 0 : index
    %get3A_13 = vector.load %arg5[%get3A, %get3A_12] : memref<136x2048xbf16, #tpu.memory_space<vmem>>, vector<136x2048xbf16>
    %get3A_14 = arith.constant 0 : index
    %get3A_15 = arith.constant 0 : index
    %get3A_16 = vector.load %arg7[%get3A_14, %get3A_15] : memref<136x1024xbf16, #tpu.memory_space<vmem>>, vector<136x1024xbf16>
    %dot_general3A = arith.constant dense<0.000000e+00> : vector<2048x1024xf32>
    %dot_general3A_17 = tpu.matmul %get3A_13, %get3A_16, %dot_general3A {dimension_numbers = #tpu.dot_dimension_numbers<[0], [0], [1], [1], [0, 1, 1, 1], [], []>, transpose_lhs_hint = false} : vector<136x2048xbf16>, vector<136x1024xbf16>, vector<2048x1024xf32> -> vector<2048x1024xf32>
    %eq3A_18 = arith.constant 0 : i32
    %eq3A_19 = arith.cmpi eq, %arg0, %eq3A_18 : i32
    %convert_element_type3A_20 = arith.extui %eq3A_19 : i1 to i32
    %cond3A_21 = arith.constant 0 : i32
    %cond3A_22 = arith.cmpi ne, %convert_element_type3A_20, %cond3A_21 : i32
    scf.if %cond3A_22 {
      %reduce_max3A = arith.constant dense<0xFF800000> : vector<1024xf32>
      %reduce_max3A_28 = vector.multi_reduction <maximumf>, %dot_general3A_17, %reduce_max3A [0] : vector<2048x1024xf32> to vector<1024xf32>
      %broadcast_in_dim3A = vector.shape_cast %reduce_max3A_28 : vector<1024xf32> to vector<1x1024xf32>
      %get3A_29 = arith.constant 0 : index
      %get3A_30 = arith.constant 0 : index
      %get3A_31 = vector.load %arg8[%get3A_29, %get3A_30] : memref<1x1024xf32, #tpu.memory_space<vmem>>, vector<1x1024xf32>
      %max3A = arith.maximumf %get3A_31, %broadcast_in_dim3A : vector<1x1024xf32>
      %get3A_32 = arith.constant 0 : index
      %get3A_33 = arith.constant 0 : index
      %get3A_34 = vector.load %arg9[%get3A_32, %get3A_33] : memref<1x1024xf32, #tpu.memory_space<vmem>>, vector<1x1024xf32>
      %get3A_35 = arith.constant 0 : index
      %get3A_36 = arith.constant 0 : index
      %get3A_37 = vector.load %arg8[%get3A_35, %get3A_36] : memref<1x1024xf32, #tpu.memory_space<vmem>>, vector<1x1024xf32>
      %sub3A = arith.subf %get3A_37, %max3A : vector<1x1024xf32>
      %exp3A = math.exp %sub3A : vector<1x1024xf32>
      %mul3A = arith.mulf %get3A_34, %exp3A : vector<1x1024xf32>
      %sub3A_38 = vector.broadcast %max3A : vector<1x1024xf32> to vector<2048x1024xf32>
      %sub3A_39 = arith.subf %dot_general3A_17, %sub3A_38 : vector<2048x1024xf32>
      %exp3A_40 = math.exp %sub3A_39 : vector<2048x1024xf32>
      %reduce_sum3A = arith.constant dense<0.000000e+00> : vector<1024xf32>
      %reduce_sum3A_41 = vector.multi_reduction <add>, %exp3A_40, %reduce_sum3A [0] : vector<2048x1024xf32> to vector<1024xf32>
      %broadcast_in_dim3A_42 = vector.shape_cast %reduce_sum3A_41 : vector<1024xf32> to vector<1x1024xf32>
      %add3A = arith.addf %mul3A, %broadcast_in_dim3A_42 : vector<1x1024xf32>
      %swap3A = arith.constant 0 : index
      %swap3A_43 = arith.constant 0 : index
      %swap3A_44 = vector.load %arg9[%swap3A, %swap3A_43] : memref<1x1024xf32, #tpu.memory_space<vmem>>, vector<1x1024xf32>
      tpu.vector_store %arg9[%swap3A, %swap3A_43], %add3A {strides = array<i32>} : memref<1x1024xf32, #tpu.memory_space<vmem>>, vector<1x1024xf32>,
      %swap3A_45 = arith.constant 0 : index
      %swap3A_46 = arith.constant 0 : index
      %swap3A_47 = vector.load %arg8[%swap3A_45, %swap3A_46] : memref<1x1024xf32, #tpu.memory_space<vmem>>, vector<1x1024xf32>
      tpu.vector_store %arg8[%swap3A_45, %swap3A_46], %max3A {strides = array<i32>} : memref<1x1024xf32, #tpu.memory_space<vmem>>, vector<1x1024xf32>,
    } else {
    }
    %eq3A_23 = arith.constant 1 : i32
    %eq3A_24 = arith.cmpi eq, %arg0, %eq3A_23 : i32
    %convert_element_type3A_25 = arith.extui %eq3A_24 : i1 to i32
    %cond3A_26 = arith.constant 0 : i32
    %cond3A_27 = arith.cmpi ne, %convert_element_type3A_25, %cond3A_26 : i32
    scf.if %cond3A_27 {
      %swap3A = arith.constant 0 : index
      %swap3A_28 = arith.constant 0 : index
      %swap3A_29 = vector.load %arg6[%swap3A, %swap3A_28] : memref<2048x1024xf32, #tpu.memory_space<vmem>>, vector<2048x1024xf32>
      tpu.vector_store %arg6[%swap3A, %swap3A_28], %dot_general3A_17 {strides = array<i32>} : memref<2048x1024xf32, #tpu.memory_space<vmem>>, vector<2048x1024xf32>,
    } else {
    }
    return
  }
  func.func @transform_0(%arg0: i32, %arg1: i32) -> (i32, i32) {
    %c0_i32 = arith.constant 0 : i32
    %c0_i32_0 = arith.constant 0 : i32
    %c0_i32_1 = arith.constant 0 : i32
    return %c0_i32, %c0_i32_0 : i32, i32
  }
  func.func @transform_1(%arg0: i32, %arg1: i32) -> (i32, i32) {
    %c0_i32 = arith.constant 0 : i32
    %c0_i32_0 = arith.constant 0 : i32
    %c0_i32_1 = arith.constant 0 : i32
    return %c0_i32, %c0_i32_0 : i32, i32
  }
  func.func @transform_2(%arg0: i32, %arg1: i32) -> (i32, i32) {
    %c0_i32 = arith.constant 0 : i32
    %c0_i32_0 = arith.constant 0 : i32
    %c0_i32_1 = arith.constant 0 : i32
    return %c0_i32, %c0_i32_0 : i32, i32
  }
  func.func @transform_3(%arg0: i32, %arg1: i32) -> (i32, i32) {
    %c0_i32 = arith.constant 0 : i32
    %c0_i32_0 = arith.constant 0 : i32
    return %c0_i32, %arg1 : i32, i32
  }
  func.func @transform_4(%arg0: i32, %arg1: i32) -> (i32, i32) {
    %mul3A = arith.muli %arg1, %arg0 : i32
    %c0_i32 = arith.constant 0 : i32
    %c0_i32_0 = arith.constant 0 : i32
    return %mul3A, %c0_i32 : i32, i32
  }
}

</mosaic_0001>

<sc_bundles>
// kernel: kernel.4.cloned.1.call-start
scs
__scs_entry_jumppad:
0x0: {  	(pc) =	sbr.rel $0x88, $3  }
0x1: {  	(tag) =	ssettag $0x0;
	lr =	simm.s32 $0x1  }
0x2: {  	[smem:$0x3F9B] =	sst lr;
	_ =	strace $0xD0000000  }
0x3: {  	_ = 	snop  }
0x4: {  	_ = 	snop  }
0x5: {  	_ = 	snop  }
0x6: {  	_ = 	snop  }
0x7: {  	_ = 	snop  }
__scs_overlays_trampoline_lowered:
0x8: {  	[smem:$0x3FAA] =	sst s0  }
0x9: {  	[smem:$0x3FAB] =	sst s1  }
0xa: {  	[smem:$0x3FAC] =	sst s2  }
0xb: {  	[smem:$0x3FAD] =	sst s3  }
0xc: {  	[smem:$0x3FAE] =	sst s4  }
0xd: {  	[smem:$0x3FAF] =	sst s5  }
0xe: {  	[smem:$0x3FB0] =	sst s6  }
0xf: {  	[smem:$0x3FB1] =	sst s7  }
0x10: {  	[smem:$0x3FB2] =	sst s8  }
0x11: {  	[smem:$0x3FB3] =	sst s9;
	s0 =	simm.s32 @!p0 $0x0  }
0x12: {  	s1 =	sld [smem:$0x3F99];
	s0 =	simm.s32 @p0 $0x1  }
0x13: {  	[smem:$0x3FB4] =	sst s0;
	s0 =	simm.s32 @!p1 $0x0  }
0x14: {  	s2 =	sld [smem:$0x3F98];
	s0 =	simm.s32 @p1 $0x1  }
0x15: {  	[smem:$0x3FB5] =	sst s0;
	s0 =	simm.s32 @!p2 $0x0  }
0x16: {  	s3 =	sld [smem:$0x3FDB];
	s0 =	simm.s32 @p2 $0x1  }
0x17: {  	s4 =	simm.s32 $0x1BF5;
	[smem:$0x3FB7] =	sst s0  }
0x18: {  	s0 =	sld [smem:$0x3F9A];
	_ =	swait.ge [sflag:s4], $0x0  }
0x19: {  	s7 =	sld [smem:$0x3F9B]  }
0x1a: {  	s8 =	sadd.s32 $0xFFFFE003, lr  }
0x1b: {  	s9 =	sadd.s32 $0xFFFFFEF7, lr;
	s5 =	simm.s32 $0xFFFFFFFF;
	p2 =	slt.u32 s8, $0xFFFFF086  }
0x1c: {  	p1 =	slt.u32 s9, $0xF7A;
	s5 =	simm.s32 @!p2 $0x0  }
0x1d: {  	s5 =	simm.s32 @p1 $0x1;
	p0 =	seq.s32 s7, s2  }
0x1e: {  	s7 =	smul.u32 @!p0 $0xF7A, s2;
	p2 =	seq.s32 @!p0 s5, $0x0  }
0x1f: {  	s9 =	smul.u32 $0xF7A, s1;
	s8 =	simm.s32 @!p0 $0x1BF5;
	p2 =	por !p2, p0  }
0x20: {  	[sflag:s8] =	ssyncset.s32 @!p0 $0xFFFFF086;
	s6 =	sadd.s32 @!p0 s3, s7;
	s7 =	simm.s32 @!p0 $0x108  }
0x21: {  	s3 =	sadd.s32 s3, s9;
	s6 =	sadd.s32 @!p0 $0x88, s6;
	s7 =	simm.s32 @p2 $0x1082  }
0x22: {  	[simem:s7], [sflag:s8] =	dma.local @!p0 [hbm:s6], $0xF7A  }
0x23: {  	s9 =	sor.u32 $0xD0000000, s2;
	s6 =	simm.s32 $0x108;
	_ =	swait.ge @!p0 [sflag:s8], $0x0  }
0x24: {  	s3 =	sadd.s32 $0x88, s3;
	s6 =	simm.s32 @!p1 $0x1082;
	[sflag:s4] =	ssyncset.s32 $0xFFFFF086  }
0x25: {  	[simem:s6], [sflag:s4] =	dma.local [hbm:s3], $0xF7A  }
0x26: {  	[smem:$0x3F9B] =	sst s1;
	(tag) =	ssettag s2;
	_ =	strace s9  }
0x27: {  	s1 =	sld [smem:$0x3FAB]  }
0x28: {  	s2 =	sld [smem:$0x3FAC]  }
0x29: {  	s4 =	sld [smem:$0x3FAE]  }
0x2a: {  	p0 =	seq.s32 s5, $0x0;
	s5 =	sld [smem:$0x3FAF]  }
0x2b: {  	s6 =	sld [smem:$0x3FB0]  }
0x2c: {  	s7 =	sld [smem:$0x3FB1]  }
0x2d: {  	s3 =	simm.s32 $0x108;
	s8 =	sld [smem:$0x3FB2]  }
0x2e: {  	s3 =	simm.s32 @!p0 $0x1082;
	s9 =	sld [smem:$0x3FB3]  }
0x2f: {  	lr =	sadd.s32 s0, s3;
	s0 =	sld [smem:$0x3FAA]  }
0x30: {  	s3 =	sld [smem:$0x3FAD]  }
0x31: {  	[smem:$0x3FB6] =	sst s10  }
0x32: {  	s10 =	sld [smem:$0x3FB4];
	_ =	sdelay $0x3  }
0x33: {  	p0 =	seq.s32 s10, $0x1;
	s10 =	sld [smem:$0x3FB6];
	_ =	sdelay $0x3  }
0x34: {  	[smem:$0x3FB6] =	sst s10  }
0x35: {  	s10 =	sld [smem:$0x3FB5];
	_ =	sdelay $0x3  }
0x36: {  	p1 =	seq.s32 s10, $0x1;
	s10 =	sld [smem:$0x3FB6];
	_ =	sdelay $0x3  }
0x37: {  	[smem:$0x3FB6] =	sst s10  }
0x38: {  	s10 =	sld [smem:$0x3FB7]  }
0x39: {  	_ = 	snop;
	(pc) =	sbr.ind lr, $3  }
0x3a: {  	_ = 	snop  }
0x3b: {  	_ = 	snop  }
0x3c: {  	p2 =	seq.s32 s10, $0x1;
	s10 =	sld [smem:$0x3FB6]  }
0x3d: {  	_ =	shalt  }
0x3e: {  	_ =	shalt  }
0x3f: {  	_ =	shalt  }
0x40: {  	_ =	shalt  }
0x41: {  	_ =	shalt  }
0x42: {  	_ =	shalt  }
0x43: {  	_ =	shalt  }
0x44: {  	_ =	shalt  }
0x45: {  	_ =	shalt  }
0x46: {  	_ =	shalt  }
0x47: {  	_ =	shalt  }
0x48: {  	_ =	shalt  }
0x49: {  	_ =	shalt  }
0x4a: {  	_ =	shalt  }
0x4b: {  	_ =	shalt  }
0x4c: {  	_ =	shalt  }
0x4d: {  	_ =	shalt  }
0x4e: {  	_ =	shalt  }
0x4f: {  	_ =	shalt  }
0x50: {  	_ =	shalt  }
0x51: {  	_ =	shalt  }
0x52: {  	_ =	shalt  }
0x53: {  	_ =	shalt  }
0x54: {  	_ =	shalt  }
0x55: {  	_ =	shalt  }
0x56: {  	_ =	shalt  }
0x57: {  	_ =	shalt  }
0x58: {  	_ =	shalt  }
0x59: {  	_ =	shalt  }
0x5a: {  	_ =	shalt  }
0x5b: {  	_ =	shalt  }
0x5c: {  	_ =	shalt  }
0x5d: {  	_ =	shalt  }
0x5e: {  	_ =	shalt  }
0x5f: {  	_ =	shalt  }
0x60: {  	_ =	shalt  }
0x61: {  	_ =	shalt  }
0x62: {  	_ =	shalt  }
0x63: {  	_ =	shalt  }
0x64: {  	_ =	shalt  }
0x65: {  	_ =	shalt  }
0x66: {  	_ =	shalt  }
0x67: {  	_ =	shalt  }
0x68: {  	_ =	shalt  }
0x69: {  	_ =	shalt  }
0x6a: {  	_ =	shalt  }
0x6b: {  	_ =	shalt  }
0x6c: {  	_ =	shalt  }
0x6d: {  	_ =	shalt  }
0x6e: {  	_ =	shalt  }
0x6f: {  	_ =	shalt  }
0x70: {  	_ =	shalt  }
0x71: {  	_ =	shalt  }
0x72: {  	_ =	shalt  }
0x73: {  	_ =	shalt  }
0x74: {  	_ =	shalt  }
0x75: {  	_ =	shalt  }
0x76: {  	_ =	shalt  }
0x77: {  	_ =	shalt  }
0x78: {  	_ =	shalt  }
0x79: {  	_ =	shalt  }
0x7a: {  	_ =	shalt  }
0x7b: {  	_ =	shalt  }
0x7c: {  	_ =	shalt  }
0x7d: {  	_ =	shalt  }
0x7e: {  	_ =	shalt  }
0x7f: {  	_ =	shalt  }
0x80: {  	_ =	shalt  }
0x81: {  	_ =	shalt  }
0x82: {  	_ =	shalt  }
0x83: {  	_ =	shalt  }
0x84: {  	_ =	shalt  }
0x85: {  	_ =	shalt  }
0x86: {  	_ =	shalt  }
0x87: {  	_ =	shalt  }
.Lfunc_end0:
.L_simem_size_0:
called_computation_lowered:
.L_overlay_start_0:
0x88: {  	s2 =	sld [smem:$0x3FD9]  }
0x89: {  	s3 =	sld [smem:$0x3FFE];
	_ =	sdelay $0x1  }
0x8a: {  	s1 =	srdreg.scid  }
0x8b: {  	s0 =	sand.u32 $0x1, s1  }
0x8c: {  	s16 =	sshll.u32 s0, $0xA;
	s2 =	sadd.s32 s3, s2  }
0x8d: {  	s2 =	sadd.s32 s2, s16  }
0x8e: {  	[smem:$0x3FC2] =	sst s2  }
0x8f: {  	_ = 	snop  }
0x90: {  	(tm) =	ssettm $0x1  }
0x91: {  	s17 =	sld [smem:$0x3FFB];
	_ =	sdelay $0x3  }
0x92: {  	_ =	strace s17  }
0x93: {  	s2 =	sld [smem:$0x3FFC];
	_ =	sdelay $0x3  }
0x94: {  	_ =	strace s2  }
0x95: {  	s2 =	sld [smem:$0x3FFD];
	_ =	sdelay $0x3  }
0x96: {  	_ =	strace s2  }
0x97: {  	_ =	strace $0x8FFFFFFF  }
0x98: {  	s18 =	sld [smem:$0x3FDB];
	_ =	sdelay $0x1  }
0x99: {  	s19 =	simm.s32 $_scs_section_size  }
0x9a: {  	s4 =	simm.s32 $_size__tile_overlayer_lowered;
	s5 =	simm.s32 $_tile_overlayer_lowered  }
0x9b: {  	s22 =	simm.s32 $0x1BFF;
	s21 =	sshll.u32 s5, $0x1;
	s2 =	sadd.s32 s19, s18  }
0x9c: {  	s6 =	simm.s32 $0x0;
	s20 =	sshll.u32 s4, $0x1;
	s4 =	sadd.s32 s21, s2  }
0x9d: {  	[timem:s6], [sflag:s22] =	dma.local [hbm:s4], s20  }
0x9e: {  	_ =	swait.ge [sflag:s22], s20  }
0x9f: {  	s3 =	ssub.s32 $0x0, s20;
	[sflag:s22] =	ssyncset.done $0x0  }
0xa0: {  	[sflag:s22] =	ssyncadd.s32 s3;
	_ =	sdelay $0x1  }
0xa1: {  	s23 =	simm.s32 $0x1B8B  }
0xa2: {  	_ =	swait.ge [sflag:s23], $0x1  }
0xa3: {  	[sflag:s23] =	ssyncset.done $0x0  }
0xa4: {  	s25 =	simm.s32 $0x1B8E;
	s24 =	sld [smem:$0x3FFE];
	[sflag:s23] =	ssyncadd.s32 $0xFFFFFFFF  }
0xa5: {  	s26 =	simm.s32 $execute0_lowered;
	[smem:$0x3FD2] =	sst s25  }
0xa6: {  	s4 =	sshll.u32 s26, $0x1;
	_ =	strace $0x80000046;
	[dreg:$0x1] =	wrdreg $0xFFFFFFFF  }
0xa7: {  	s28 =	simm.s32 $_size_execute0_lowered;
	s2 =	sadd.s32 s2, s4;
	[dreg:$0x0] =	wrdreg $0x0  }
0xa8: {  	s4 =	sshll.u32 s28, $0x1;
	[dreg:$0x2] =	wrdreg s2  }
0xa9: {  	[dreg:$0x3] =	wrdreg s4  }
0xaa: {  	[dreg:$0x4] =	wrdreg $0xC0  }
0xab: {  	_ =	task [dreg:s6], $0x5FFFF  }
0xac: {  	[dreg:$0x1] =	wrdreg $0xFFFFFFFF  }
0xad: {  	[dreg:$0x0] =	wrdreg $0x60  }
0xae: {  	[dreg:$0x2] =	wrdreg s24  }
0xaf: {  	[dreg:$0x3] =	wrdreg $0x9  }
0xb0: {  	_ =	task.clear_ibuf [dreg:s6], $0x4FFFF;
	_ =	strace $0x90000046  }
0xb1: {  	s29 =	simm.s32 $0x9;
	_ =	strace $0x80000048  }
0xb2: {  	_ =	swait.ge [sflag:s29], $0x1  }
0xb3: {  	[sflag:s29] =	ssyncadd.s32 $0xFFFFFFFF  }
0xb4: {  	_ =	strace $0x90000048  }
0xb5: {  	_ =	sfence  }
0xb6: {  	s30 =	sld [smem:$0x0];
	_ =	sdelay $0x2  }
0xb7: {  	s31 =	sshll.u32 s1, $0xD;
	s1 =	sshrl.u32 s1, $0x2  }
0xb8: {  	s3 =	sand.u32 $0x4000, s31;
	s1 =	sadd.s32 s1, s30  }
0xb9: {  	s0 =	sor.u32 s3, s0;
	s1 =	sshll.u32 s1, $0x11  }
0xba: {  	s0 =	sor.u32 s1, s0  }
0xbb: {  	s0 =	sadd.s32 $0x8F2B, s0  }
0xbc: {  	[sflag:s0] =	ssyncadd.remote.s32 $0x1  }
0xbd: {  	_ =	sfence.sel $0xFFFF  }
0xbe: {  	[dreg:$0x0] =	wrdreg $0xFFFFFFFF;
	(pc) =	sbr.abs _section_cstart, $3  }
0xbf: {  	[dreg:$0x1] =	wrdreg $0xFFFFFFFF  }
0xc0: {  	_ =	task.clear_ibuf [dreg:s6], $0x2FFFF;
	_ =	strace $0x9FFFFFFF  }
0xc1: {  	(tm) =	ssettm $0x7FFFFFFF  }
tec
execute0_lowered:
.L_overlay_start_1:
0x0: {  	(tag) =	ssettag $0x1  }
0x1: {  	s1 =	srdreg.scid;
	s0 =	stileid.u32  }
0x2: {  	s16 =	sand.u32 $0x1, s1;
	s29 =	sshll.u32 s0, $0x1  }
0x3: {  	s17 =	sor.u32 s16, s29  }
0x4: {  	s18 =	rddreg [dreg:$0x0];
	s3 =	smul.u32 $0x50, s17  }
0x5: {  	s2 =	simm.s32 $0x0;
	s1 =	rddreg [dreg:$0x1]  }
0x6: {  	[smem:$0x7FF] =	sst s2;
	s3 =	sadd.s32 s3, s18  }
0x7: {  	_ =	strace $0x80000047;
	s4 =	sadd.s32 $0xA00, s3;
	s3 =	simm.s32 $0x2  }
0x8: {  	[tilespmem:s2], [sflag:$0x2] =	stream.linear.gather [hbm4b:s4+s2], $0x280, $0x38;
	[tilespmem:$0x14280] =	vst v63  }
0x9: {  	_ =	swait.ge [sflag:s3], $0x280  }
0xa: {  	s6 =	simm.s32 $0x80;
	[sflag:s3] =	ssyncset.done $0x0  }
0xb: {  	s7 =	simm.s32 $0x280;
	s5 =	sadd.s32 $0x1400, s18;
	[sflag:s3] =	ssyncadd.s32 $0xFFFFFD80  }
0xc: {  	[tilespmem:s7], [sflag:$0x1] =	stream.indirect.gather [hbm4b:s5+s6], $0x80, s2, s6, $0xb8;
	[tilespmem:$0x14280] =	vst v63  }
0xd: {  	s8 =	simm.s32 $0x4280  }
0xe: {  	[tilespmem:s8], [sflag:$0x1] =	stream.indirect.gather [hbm4b:s5+s6], $0x80, s6, s6, $0xb8;
	[tilespmem:$0x14280] =	vst v63  }
0xf: {  	s9 =	simm.s32 $0x100;
	s10 =	simm.s32 $0x8280  }
0x10: {  	[tilespmem:s10], [sflag:$0x1] =	stream.indirect.gather [hbm4b:s5+s6], $0x80, s9, s6, $0xb8;
	[tilespmem:$0x14280] =	vst v63  }
0x11: {  	s11 =	simm.s32 $0x180;
	s12 =	simm.s32 $0xC280  }
0x12: {  	[tilespmem:s12], [sflag:$0x1] =	stream.indirect.gather [hbm4b:s5+s6], $0x80, s11, s6, $0xb8;
	[tilespmem:$0x14280] =	vst v63  }
0x13: {  	s13 =	simm.s32 $0x200;
	s14 =	simm.s32 $0x10280;
	s15 =	simm.s32 $0x1  }
0x14: {  	[tilespmem:s14], [sflag:$0x1] =	stream.indirect.gather [hbm4b:s5+s6], $0x80, s13, s6, $0xb8;
	[tilespmem:$0x14280] =	vst v63  }
0x15: {  	_ =	swait.ge [sflag:s15], $0x4000  }
0x16: {  	[sflag:s15] =	ssyncset.done $0x0  }
0x17: {  	[sflag:s15] =	ssyncadd.s32 $0xFFFFC000  }
0x18: {  	_ =	swait.ge [sflag:s15], $0x4000  }
0x19: {  	[sflag:s15] =	ssyncset.done $0x0  }
0x1a: {  	[sflag:s15] =	ssyncadd.s32 $0xFFFFC000  }
0x1b: {  	_ =	swait.ge [sflag:s15], $0x4000  }
0x1c: {  	[sflag:s15] =	ssyncset.done $0x0  }
0x1d: {  	s16 =	ssub.s32 $0x2, s16;
	[sflag:s15] =	ssyncadd.s32 $0xFFFFC000  }
0x1e: {  	s19 =	sshrl.u32 s16, $0x1;
	_ =	swait.ge [sflag:s15], $0x4000  }
0x1f: {  	s30 =	ssub.s32 s16, s19;
	[sflag:s15] =	ssyncset.done $0x0  }
0x20: {  	s17 =	smul.u32 $0x2800, s17;
	s31 =	smax.u32 s30, $0x1;
	[sflag:s15] =	ssyncadd.s32 $0xFFFFC000  }
0x21: {  	p0 =	sne.s32 s31, $0x1;
	_ =	swait.ge [sflag:s15], $0x4000  }
.Ltmp0:
0x22: {  	s17 =	sadd.s32 s17, s18;
	[sflag:s15] =	ssyncset.done $0x0;
	(pc) =	sbr.rel @!p0 .LBB2_2-.Ltmp0, $4  }
0x23: {  	s16 =	sadd.s32 $0x187E00, s17;
	[sflag:s15] =	ssyncadd.s32 $0xFFFFC000  }
0x24: {  	[hbm4b:s16+s2] =	stream.linear.scatter [tilespmem:s7], [sflag:$0x2], $0x14000, $0x38;
	[tilespmem:$0x14280] =	vst v63  }
0x25: {  	_ =	swait.ge [sflag:s3], $0x14000  }
0x26: {  	s17 =	sadd.s32 $0xFFFFFFFF, s31;
	[sflag:s3] =	ssyncset.done $0x0  }
.LBB2_1:
0x27: {  	p0 =	sne.s32 s17, $0x1;
	s17 =	sadd.s32 $0xFFFFFFFF, s17;
	[sflag:s3] =	ssyncadd.s32 $0xFFFEC000  }
0x28: {  	[tilespmem:s2], [sflag:$0x2] =	stream.linear.gather [hbm4b:s4+s2], $0x280, $0x38;
	[tilespmem:$0x14280] =	vst v63  }
0x29: {  	_ =	swait.ge [sflag:s3], $0x280  }
0x2a: {  	[sflag:s3] =	ssyncset.done $0x0  }
0x2b: {  	[sflag:s3] =	ssyncadd.s32 $0xFFFFFD80  }
0x2c: {  	[tilespmem:s7], [sflag:$0x1] =	stream.indirect.gather [hbm4b:s5+s6], $0x80, s2, s6, $0xb8;
	[tilespmem:$0x14280] =	vst v63  }
0x2d: {  	_ = 	snop  }
0x2e: {  	[tilespmem:s8], [sflag:$0x1] =	stream.indirect.gather [hbm4b:s5+s6], $0x80, s6, s6, $0xb8;
	[tilespmem:$0x14280] =	vst v63  }
0x2f: {  	_ = 	snop  }
0x30: {  	[tilespmem:s10], [sflag:$0x1] =	stream.indirect.gather [hbm4b:s5+s6], $0x80, s9, s6, $0xb8;
	[tilespmem:$0x14280] =	vst v63  }
0x31: {  	_ = 	snop  }
0x32: {  	[tilespmem:s12], [sflag:$0x1] =	stream.indirect.gather [hbm4b:s5+s6], $0x80, s11, s6, $0xb8;
	[tilespmem:$0x14280] =	vst v63  }
0x33: {  	_ = 	snop  }
0x34: {  	[tilespmem:s14], [sflag:$0x1] =	stream.indirect.gather [hbm4b:s5+s6], $0x80, s13, s6, $0xb8;
	[tilespmem:$0x14280] =	vst v63  }
0x35: {  	_ =	swait.ge [sflag:s15], $0x4000  }
0x36: {  	[sflag:s15] =	ssyncset.done $0x0  }
0x37: {  	[sflag:s15] =	ssyncadd.s32 $0xFFFFC000  }
0x38: {  	_ =	swait.ge [sflag:s15], $0x4000  }
0x39: {  	[sflag:s15] =	ssyncset.done $0x0  }
0x3a: {  	[sflag:s15] =	ssyncadd.s32 $0xFFFFC000  }
0x3b: {  	_ =	swait.ge [sflag:s15], $0x4000  }
0x3c: {  	[sflag:s15] =	ssyncset.done $0x0  }
0x3d: {  	[sflag:s15] =	ssyncadd.s32 $0xFFFFC000  }
0x3e: {  	_ =	swait.ge [sflag:s15], $0x4000  }
0x3f: {  	[sflag:s15] =	ssyncset.done $0x0  }
0x40: {  	[sflag:s15] =	ssyncadd.s32 $0xFFFFC000  }
0x41: {  	_ =	swait.ge [sflag:s15], $0x4000  }
.Ltmp1:
0x42: {  	[sflag:s15] =	ssyncset.done $0x0;
	(pc) =	sbr.rel @p0 .LBB2_1-.Ltmp1, $4  }
0x43: {  	[sflag:s15] =	ssyncadd.s32 $0xFFFFC000  }
0x44: {  	[hbm4b:s16+s2] =	stream.linear.scatter [tilespmem:s7], [sflag:$0x2], $0x14000, $0x38;
	[tilespmem:$0x14280] =	vst v63  }
0x45: {  	_ =	swait.ge [sflag:s3], $0x14000  }
0x46: {  	[sflag:s3] =	ssyncset.done $0x0  }
.LBB2_2:
0x47: {  	[sflag:s3] =	ssyncadd.s32 $0xFFFEC000  }
0x48: {  	_ =	sfence.sel $0x180000  }
0x49: {  	[bflag:$0x0] =	sbarrier.arrive $0xFFFF  }
0x4a: {  	p0 =	sne.s32 s0, $0x0;
	_ =	strace $0x90000047  }
0x4b: {  	s0 =	sadd.s32 @!p0 $0x100000, s1;
	[bflag:$0x2] =	sbarrier.arrive $0xFFFF  }
0x4c: {  	[sflag:s0] =	ssyncadd.tile.s32 @!p0 $0x1;
	_ =	shalt  }
.Lfunc_end2:
_tile_overlayer_lowered:
.L_overlay_start_2:
0x4d: {  	(tag) =	ssettag $0x2  }
0x4e: {  	s0 =	rddreg [dreg:$0x0];
	s2 =	stileid.u32  }
0x4f: {  	s1 =	rddreg [dreg:$0x1];
	p0 =	sne.s32 s2, $0x0  }
0x50: {  	s3 =	rddreg [dreg:$0x2];
	[bflag:$0x3] =	sbarrier.arrive $0xFFFF;
	s2 =	simm.s32 @!p0 $0x1C02  }
0x51: {  	[timem:s3], [sflag:s2] =	dma.local @!p0 [hbm:s0], s1  }
0x52: {  	s0 =	simm.s32 @!p0 $0x2  }
0x53: {  	_ =	swait.ge @!p0 [sflag:s0], s1  }
0x54: {  	s1 =	ssub.s32 @!p0 $0x0, s1;
	[sflag:s0] =	ssyncset.done @!p0 $0x0  }
0x55: {  	[sflag:s0] =	ssyncadd.s32 @!p0 s1  }
0x56: {  	[bflag:$0x3] =	sbarrier.arrive $0xFFFF  }
0x57: {  	_ =	shalt  }

</sc_bundles>
